<compile_context>
chip_gen: v7x
topology: tpu7x:2x2x1
jax: 0.10.2.dev20260603
libtpu: 0.0.44.dev20260713+nightly
codegen_flags: <defaults>
</compile_context>

<pallas_src>
import functools

import jax
import jax.numpy as jnp
from jax import lax
from jax.experimental import pallas as pl
from jax.experimental.pallas import tpu as pltpu
from jax.experimental.pallas import tpu_sc as plsc

_EMBED = 64
_BATCH = 16384
_NC, _NS = 2, 16
_NW = _NC * _NS
_BPW = _BATCH // _NW
_NSEM = 4

_mesh = plsc.VectorSubcoreMesh(core_axis_name="c", subcore_axis_name="s")


@functools.partial(
    pl.kernel,
    out_type=jax.ShapeDtypeStruct((_NW, _BPW // 2, 2 * _EMBED), jnp.float32),
    mesh=_mesh,
    scratch_types=[
        pltpu.VMEM((_BPW + 16,), jnp.int32),
        pltpu.VMEM((_BPW // 2, 2 * _EMBED), jnp.float32),
        pltpu.SemaphoreType.DMA,
        pltpu.SemaphoreType.DMA,
        pltpu.SemaphoreType.DMA,
        pltpu.SemaphoreType.DMA,
    ],
)
def _sc_gather(idx_hbm, table_hbm, out_hbm, idx_v, buf_v, s0, s1, s2, s3):
    wid = lax.axis_index("s") * _NC + lax.axis_index("c")
    sems = (s0, s1, s2, s3)
    pltpu.sync_copy(idx_hbm.at[wid], idx_v.at[pl.ds(0, _BPW)])

    def fire(g, carry):
        for k in range(_NSEM):
            b = g * _NSEM + k
            i = idx_v[pl.ds(b, 16)][0]
            pltpu.async_copy(
                table_hbm.at[i],
                buf_v.at[g * (_NSEM // 2) + (k >> 1), pl.ds((k & 1) * _EMBED, _EMBED)],
                sems[k],
            )
        return carry

    lax.fori_loop(0, _BPW // _NSEM, fire, 0, unroll=False)
    share = _BPW // 2 // _NSEM
    for k in range(_NSEM):
        pltpu.make_async_copy(
            out_hbm.at[0, pl.ds(0, share)],
            buf_v.at[pl.ds(k * share, share)],
            sems[k],
        ).wait()
    pltpu.sync_copy(buf_v, out_hbm.at[wid])


def kernel(inputs, table):
    idx = jnp.reshape(inputs.astype(jnp.int32), (_NW, _BPW))
    out = _sc_gather(idx, table)
    return jnp.reshape(out, (_BATCH, _EMBED))

# --- scband reference (transcript-rebuilt; emitter-appended) ---
"""Pipeline reference for scband-word2-vec-14508399525904 (READ-ONLY COPY).

The authoritative reference and input builder live on the scoring server;
editing this copy changes nothing except your own understanding.
"""

import jax, jax.numpy as jnp
import numpy as np

WORD_SIZE = 1000000
EMBED_SIZE = 64
BATCH = 16384

def setup_inputs(seed: int = 0) -> dict:
    key = jax.random.key(seed)
    k_idx, k_tab = jax.random.split(key)
    inputs = jax.random.randint(k_idx, (BATCH,), 0, WORD_SIZE, dtype=jnp.int64 if jax.config.jax_enable_x64 else jnp.int32)
    # he_uniform-style init for the embedding table: limit = sqrt(6 / fan_in)
    limit = float(np.sqrt(6.0 / WORD_SIZE))
    table = jax.random.uniform(k_tab, (WORD_SIZE, EMBED_SIZE), dtype=jnp.float32, minval=-limit, maxval=limit)
    return {"inputs": inputs, "table": table}

def reference(inputs, table):
    # Word2Vec inference path: flatten indices, gather embeddings
    inp = jnp.reshape(inputs, (-1,))
    embed = jnp.take(table, inp, axis=0)
    return embed

if __name__ == "__main__":
    import jax
    _d = setup_inputs()
    print(jax.jit(kernel)(*tuple(_d.values())))

</pallas_src>

<mosaic_0001>
#map = affine_map<(d0, d1) -> (0, 0)>
#map1 = affine_map<(d0, d1) -> (0, 0, 0)>
module attributes {stable_mosaic.version = 14 : i64} {
  func.func @_sc_gather(%arg0: i32, %arg1: i32, %arg2: memref<32x512xi32, #tpu.memory_space<hbm>>, %arg3: memref<1000000x64xf32, #tpu.memory_space<hbm>>, %arg4: memref<32x256x128xf32, #tpu.memory_space<hbm>>, %arg5: memref<528xi32, #tpu.memory_space<vmem>>, %arg6: memref<256x128xf32, #tpu.memory_space<vmem>>, %arg7: memref<!tpu.dma_semaphore, #tpu.memory_space<semaphore_mem>>, %arg8: memref<!tpu.dma_semaphore, #tpu.memory_space<semaphore_mem>>, %arg9: memref<!tpu.dma_semaphore, #tpu.memory_space<semaphore_mem>>, %arg10: memref<!tpu.dma_semaphore, #tpu.memory_space<semaphore_mem>>) attributes {dimension_semantics = [#tpu.dimension_semantics<core_parallel>, #tpu.dimension_semantics<subcore_parallel>], iteration_bounds = array<i64: 2, 16>, scalar_prefetch = 0 : i64, scratch_operands = 6 : i64, tpu.core_type = #tpu.core_type<sc_vector_subcore>, window_params = [{transform_indices = #map}, {transform_indices = #map}, {transform_indices = #map1}]} {
    %mul3A = arith.constant 2 : i32
    %mul3A_0 = arith.muli %arg1, %mul3A : i32
    %add3A = arith.addi %mul3A_0, %arg0 : i32
    "tpu.region"() ({
      %run_scoped3A = tpu.sem_alloc : memref<!tpu.dma_semaphore, #tpu.memory_space<semaphore_mem>>
      %dma_start3A = arith.constant 0 : i32
      %dma_start3A_65 = tpu.memref_slice %arg5[%dma_start3A] : memref<528xi32, #tpu.memory_space<vmem>> -> memref<512xi32, #tpu.memory_space<vmem>>
      %dma_start3A_66 = arith.constant 0 : i32
      %dma_start3A_67 = tpu.memref_slice %arg2[%add3A, %dma_start3A_66] : memref<32x512xi32, #tpu.memory_space<hbm>> -> memref<1x512xi32, #tpu.memory_space<hbm>>
      %dma_start3A_68 = tpu.memref_squeeze %dma_start3A_67 : memref<1x512xi32, #tpu.memory_space<hbm>> -> memref<512xi32, #tpu.memory_space<hbm>>
      %dma_start3A_69 = arith.constant 0 : i32
      %dma_start3A_70 = tpu.memref_slice %arg5[%dma_start3A_69] : memref<528xi32, #tpu.memory_space<vmem>> -> memref<512xi32, #tpu.memory_space<vmem>>
      %dma_start3A_71 = arith.constant 0 : i32
      %dma_start3A_72 = tpu.memref_slice %arg2[%add3A, %dma_start3A_71] : memref<32x512xi32, #tpu.memory_space<hbm>> -> memref<1x512xi32, #tpu.memory_space<hbm>>
      %dma_start3A_73 = tpu.memref_squeeze %dma_start3A_72 : memref<1x512xi32, #tpu.memory_space<hbm>> -> memref<512xi32, #tpu.memory_space<hbm>>
      tpu.enqueue_dma source(%dma_start3A_73 : memref<512xi32, #tpu.memory_space<hbm>>) target(%dma_start3A_70 : memref<512xi32, #tpu.memory_space<vmem>>) target_semaphore(%run_scoped3A : memref<!tpu.dma_semaphore, #tpu.memory_space<semaphore_mem>>)
      %dma_wait3A_74 = arith.constant 0 : i32
      %dma_wait3A_75 = tpu.memref_slice %arg5[%dma_wait3A_74] : memref<528xi32, #tpu.memory_space<vmem>> -> memref<512xi32, #tpu.memory_space<vmem>>
      %dma_wait3A_76 = arith.constant 0 : i32
      %dma_wait3A_77 = tpu.memref_slice %arg2[%add3A, %dma_wait3A_76] : memref<32x512xi32, #tpu.memory_space<hbm>> -> memref<1x512xi32, #tpu.memory_space<hbm>>
      %dma_wait3A_78 = tpu.memref_squeeze %dma_wait3A_77 : memref<1x512xi32, #tpu.memory_space<hbm>> -> memref<512xi32, #tpu.memory_space<hbm>>
      %dma_wait3A_79 = arith.constant 0 : i32
      %dma_wait3A_80 = tpu.memref_slice %arg5[%dma_wait3A_79] : memref<528xi32, #tpu.memory_space<vmem>> -> memref<512xi32, #tpu.memory_space<vmem>>
      %dma_wait3A_81 = arith.constant 0 : i32
      %dma_wait3A_82 = tpu.memref_slice %arg2[%add3A, %dma_wait3A_81] : memref<32x512xi32, #tpu.memory_space<hbm>> -> memref<1x512xi32, #tpu.memory_space<hbm>>
      %dma_wait3A_83 = tpu.memref_squeeze %dma_wait3A_82 : memref<1x512xi32, #tpu.memory_space<hbm>> -> memref<512xi32, #tpu.memory_space<hbm>>
      tpu.wait_dma2 semaphore(%run_scoped3A : memref<!tpu.dma_semaphore, #tpu.memory_space<semaphore_mem>>) src(%dma_wait3A_83 : memref<512xi32, #tpu.memory_space<hbm>>) dst(%dma_wait3A_80 : memref<512xi32, #tpu.memory_space<vmem>>)
      tpu.yield
    }) : () -> ()
    %scan3A = arith.constant 0 : i32
    %scan3A_1 = arith.constant 0 : i32
    %scan3A_2 = arith.constant 128 : i32
    %scan3A_3 = arith.addi %scan3A_1, %scan3A_2 : i32
    %scan3A_4 = arith.constant 1 : i32
    scf.for %scan3A_65 = %scan3A_1 to %scan3A_3 step %scan3A_4  : i32 {
      %mul3A_66 = arith.constant 4 : i32
      %mul3A_67 = arith.muli %scan3A_65, %mul3A_66 : i32
      %add3A_68 = arith.constant 0 : i32
      %add3A_69 = arith.addi %mul3A_67, %add3A_68 : i32
      %get3A = arith.index_cast %add3A_69 : i32 to index
      %get3A_70 = tpu.vector_load %arg5[%get3A] {strides = array<i32>} : memref<528xi32, #tpu.memory_space<vmem>>, vector<16xi32>,
      %get3A_71 = vector.shape_cast %get3A_70 : vector<16xi32> to vector<16xi32>
      %slice3A = vector.extract_strided_slice %get3A_71 {offsets = [0], sizes = [1], strides = [1]} : vector<16xi32> to vector<1xi32>
      %squeeze3A = vector.extract %slice3A[0] : i32 from vector<1xi32>
      %mul3A_72 = arith.constant 2 : i32
      %mul3A_73 = arith.muli %scan3A_65, %mul3A_72 : i32
      %add3A_74 = arith.constant 0 : i32
      %add3A_75 = arith.addi %mul3A_73, %add3A_74 : i32
      %dma_start3A = arith.constant 0 : i32
      %dma_start3A_76 = tpu.memref_slice %arg6[%add3A_75, %dma_start3A] : memref<256x128xf32, #tpu.memory_space<vmem>> -> memref<1x64xf32, #tpu.memory_space<vmem>>
      %dma_start3A_77 = tpu.memref_squeeze %dma_start3A_76 : memref<1x64xf32, #tpu.memory_space<vmem>> -> memref<64xf32, #tpu.memory_space<vmem>>
      %dma_start3A_78 = arith.constant 0 : i32
      %dma_start3A_79 = tpu.memref_slice %arg3[%squeeze3A, %dma_start3A_78] : memref<1000000x64xf32, #tpu.memory_space<hbm>> -> memref<1x64xf32, #tpu.memory_space<hbm>>
      %dma_start3A_80 = tpu.memref_squeeze %dma_start3A_79 : memref<1x64xf32, #tpu.memory_space<hbm>> -> memref<64xf32, #tpu.memory_space<hbm>>
      %dma_start3A_81 = arith.constant 0 : i32
      %dma_start3A_82 = tpu.memref_slice %arg6[%add3A_75, %dma_start3A_81] : memref<256x128xf32, #tpu.memory_space<vmem>> -> memref<1x64xf32, #tpu.memory_space<vmem>>
      %dma_start3A_83 = tpu.memref_squeeze %dma_start3A_82 : memref<1x64xf32, #tpu.memory_space<vmem>> -> memref<64xf32, #tpu.memory_space<vmem>>
      %dma_start3A_84 = arith.constant 0 : i32
      %dma_start3A_85 = tpu.memref_slice %arg3[%squeeze3A, %dma_start3A_84] : memref<1000000x64xf32, #tpu.memory_space<hbm>> -> memref<1x64xf32, #tpu.memory_space<hbm>>
      %dma_start3A_86 = tpu.memref_squeeze %dma_start3A_85 : memref<1x64xf32, #tpu.memory_space<hbm>> -> memref<64xf32, #tpu.memory_space<hbm>>
      tpu.enqueue_dma source(%dma_start3A_86 : memref<64xf32, #tpu.memory_space<hbm>>) target(%dma_start3A_83 : memref<64xf32, #tpu.memory_space<vmem>>) target_semaphore(%arg7 : memref<!tpu.dma_semaphore, #tpu.memory_space<semaphore_mem>>)
      %mul3A_87 = arith.constant 4 : i32
      %mul3A_88 = arith.muli %scan3A_65, %mul3A_87 : i32
      %add3A_89 = arith.constant 1 : i32
      %add3A_90 = arith.addi %mul3A_88, %add3A_89 : i32
      %get3A_91 = arith.index_cast %add3A_90 : i32 to index
      %get3A_92 = tpu.vector_load %arg5[%get3A_91] {strides = array<i32>} : memref<528xi32, #tpu.memory_space<vmem>>, vector<16xi32>,
      %get3A_93 = vector.shape_cast %get3A_92 : vector<16xi32> to vector<16xi32>
      %slice3A_94 = vector.extract_strided_slice %get3A_93 {offsets = [0], sizes = [1], strides = [1]} : vector<16xi32> to vector<1xi32>
      %squeeze3A_95 = vector.extract %slice3A_94[0] : i32 from vector<1xi32>
      %mul3A_96 = arith.constant 2 : i32
      %mul3A_97 = arith.muli %scan3A_65, %mul3A_96 : i32
      %add3A_98 = arith.constant 0 : i32
      %add3A_99 = arith.addi %mul3A_97, %add3A_98 : i32
      %dma_start3A_100 = arith.constant 64 : i32
      %dma_start3A_101 = tpu.memref_slice %arg6[%add3A_99, %dma_start3A_100] : memref<256x128xf32, #tpu.memory_space<vmem>> -> memref<1x64xf32, #tpu.memory_space<vmem>>
      %dma_start3A_102 = tpu.memref_squeeze %dma_start3A_101 : memref<1x64xf32, #tpu.memory_space<vmem>> -> memref<64xf32, #tpu.memory_space<vmem>>
      %dma_start3A_103 = arith.constant 0 : i32
      %dma_start3A_104 = tpu.memref_slice %arg3[%squeeze3A_95, %dma_start3A_103] : memref<1000000x64xf32, #tpu.memory_space<hbm>> -> memref<1x64xf32, #tpu.memory_space<hbm>>
      %dma_start3A_105 = tpu.memref_squeeze %dma_start3A_104 : memref<1x64xf32, #tpu.memory_space<hbm>> -> memref<64xf32, #tpu.memory_space<hbm>>
      %dma_start3A_106 = arith.constant 64 : i32
      %dma_start3A_107 = tpu.memref_slice %arg6[%add3A_99, %dma_start3A_106] : memref<256x128xf32, #tpu.memory_space<vmem>> -> memref<1x64xf32, #tpu.memory_space<vmem>>
      %dma_start3A_108 = tpu.memref_squeeze %dma_start3A_107 : memref<1x64xf32, #tpu.memory_space<vmem>> -> memref<64xf32, #tpu.memory_space<vmem>>
      %dma_start3A_109 = arith.constant 0 : i32
      %dma_start3A_110 = tpu.memref_slice %arg3[%squeeze3A_95, %dma_start3A_109] : memref<1000000x64xf32, #tpu.memory_space<hbm>> -> memref<1x64xf32, #tpu.memory_space<hbm>>
      %dma_start3A_111 = tpu.memref_squeeze %dma_start3A_110 : memref<1x64xf32, #tpu.memory_space<hbm>> -> memref<64xf32, #tpu.memory_space<hbm>>
      tpu.enqueue_dma source(%dma_start3A_111 : memref<64xf32, #tpu.memory_space<hbm>>) target(%dma_start3A_108 : memref<64xf32, #tpu.memory_space<vmem>>) target_semaphore(%arg8 : memref<!tpu.dma_semaphore, #tpu.memory_space<semaphore_mem>>)
      %mul3A_112 = arith.constant 4 : i32
      %mul3A_113 = arith.muli %scan3A_65, %mul3A_112 : i32
      %add3A_114 = arith.constant 2 : i32
      %add3A_115 = arith.addi %mul3A_113, %add3A_114 : i32
      %get3A_116 = arith.index_cast %add3A_115 : i32 to index
      %get3A_117 = tpu.vector_load %arg5[%get3A_116] {strides = array<i32>} : memref<528xi32, #tpu.memory_space<vmem>>, vector<16xi32>,
      %get3A_118 = vector.shape_cast %get3A_117 : vector<16xi32> to vector<16xi32>
      %slice3A_119 = vector.extract_strided_slice %get3A_118 {offsets = [0], sizes = [1], strides = [1]} : vector<16xi32> to vector<1xi32>
      %squeeze3A_120 = vector.extract %slice3A_119[0] : i32 from vector<1xi32>
      %mul3A_121 = arith.constant 2 : i32
      %mul3A_122 = arith.muli %scan3A_65, %mul3A_121 : i32
      %add3A_123 = arith.constant 1 : i32
      %add3A_124 = arith.addi %mul3A_122, %add3A_123 : i32
      %dma_start3A_125 = arith.constant 0 : i32
      %dma_start3A_126 = tpu.memref_slice %arg6[%add3A_124, %dma_start3A_125] : memref<256x128xf32, #tpu.memory_space<vmem>> -> memref<1x64xf32, #tpu.memory_space<vmem>>
      %dma_start3A_127 = tpu.memref_squeeze %dma_start3A_126 : memref<1x64xf32, #tpu.memory_space<vmem>> -> memref<64xf32, #tpu.memory_space<vmem>>
      %dma_start3A_128 = arith.constant 0 : i32
      %dma_start3A_129 = tpu.memref_slice %arg3[%squeeze3A_120, %dma_start3A_128] : memref<1000000x64xf32, #tpu.memory_space<hbm>> -> memref<1x64xf32, #tpu.memory_space<hbm>>
      %dma_start3A_130 = tpu.memref_squeeze %dma_start3A_129 : memref<1x64xf32, #tpu.memory_space<hbm>> -> memref<64xf32, #tpu.memory_space<hbm>>
      %dma_start3A_131 = arith.constant 0 : i32
      %dma_start3A_132 = tpu.memref_slice %arg6[%add3A_124, %dma_start3A_131] : memref<256x128xf32, #tpu.memory_space<vmem>> -> memref<1x64xf32, #tpu.memory_space<vmem>>
      %dma_start3A_133 = tpu.memref_squeeze %dma_start3A_132 : memref<1x64xf32, #tpu.memory_space<vmem>> -> memref<64xf32, #tpu.memory_space<vmem>>
      %dma_start3A_134 = arith.constant 0 : i32
      %dma_start3A_135 = tpu.memref_slice %arg3[%squeeze3A_120, %dma_start3A_134] : memref<1000000x64xf32, #tpu.memory_space<hbm>> -> memref<1x64xf32, #tpu.memory_space<hbm>>
      %dma_start3A_136 = tpu.memref_squeeze %dma_start3A_135 : memref<1x64xf32, #tpu.memory_space<hbm>> -> memref<64xf32, #tpu.memory_space<hbm>>
      tpu.enqueue_dma source(%dma_start3A_136 : memref<64xf32, #tpu.memory_space<hbm>>) target(%dma_start3A_133 : memref<64xf32, #tpu.memory_space<vmem>>) target_semaphore(%arg9 : memref<!tpu.dma_semaphore, #tpu.memory_space<semaphore_mem>>)
      %mul3A_137 = arith.constant 4 : i32
      %mul3A_138 = arith.muli %scan3A_65, %mul3A_137 : i32
      %add3A_139 = arith.constant 3 : i32
      %add3A_140 = arith.addi %mul3A_138, %add3A_139 : i32
      %get3A_141 = arith.index_cast %add3A_140 : i32 to index
      %get3A_142 = tpu.vector_load %arg5[%get3A_141] {strides = array<i32>} : memref<528xi32, #tpu.memory_space<vmem>>, vector<16xi32>,
      %get3A_143 = vector.shape_cast %get3A_142 : vector<16xi32> to vector<16xi32>
      %slice3A_144 = vector.extract_strided_slice %get3A_143 {offsets = [0], sizes = [1], strides = [1]} : vector<16xi32> to vector<1xi32>
      %squeeze3A_145 = vector.extract %slice3A_144[0] : i32 from vector<1xi32>
      %mul3A_146 = arith.constant 2 : i32
      %mul3A_147 = arith.muli %scan3A_65, %mul3A_146 : i32
      %add3A_148 = arith.constant 1 : i32
      %add3A_149 = arith.addi %mul3A_147, %add3A_148 : i32
      %dma_start3A_150 = arith.constant 64 : i32
      %dma_start3A_151 = tpu.memref_slice %arg6[%add3A_149, %dma_start3A_150] : memref<256x128xf32, #tpu.memory_space<vmem>> -> memref<1x64xf32, #tpu.memory_space<vmem>>
      %dma_start3A_152 = tpu.memref_squeeze %dma_start3A_151 : memref<1x64xf32, #tpu.memory_space<vmem>> -> memref<64xf32, #tpu.memory_space<vmem>>
      %dma_start3A_153 = arith.constant 0 : i32
      %dma_start3A_154 = tpu.memref_slice %arg3[%squeeze3A_145, %dma_start3A_153] : memref<1000000x64xf32, #tpu.memory_space<hbm>> -> memref<1x64xf32, #tpu.memory_space<hbm>>
      %dma_start3A_155 = tpu.memref_squeeze %dma_start3A_154 : memref<1x64xf32, #tpu.memory_space<hbm>> -> memref<64xf32, #tpu.memory_space<hbm>>
      %dma_start3A_156 = arith.constant 64 : i32
      %dma_start3A_157 = tpu.memref_slice %arg6[%add3A_149, %dma_start3A_156] : memref<256x128xf32, #tpu.memory_space<vmem>> -> memref<1x64xf32, #tpu.memory_space<vmem>>
      %dma_start3A_158 = tpu.memref_squeeze %dma_start3A_157 : memref<1x64xf32, #tpu.memory_space<vmem>> -> memref<64xf32, #tpu.memory_space<vmem>>
      %dma_start3A_159 = arith.constant 0 : i32
      %dma_start3A_160 = tpu.memref_slice %arg3[%squeeze3A_145, %dma_start3A_159] : memref<1000000x64xf32, #tpu.memory_space<hbm>> -> memref<1x64xf32, #tpu.memory_space<hbm>>
      %dma_start3A_161 = tpu.memref_squeeze %dma_start3A_160 : memref<1x64xf32, #tpu.memory_space<hbm>> -> memref<64xf32, #tpu.memory_space<hbm>>
      tpu.enqueue_dma source(%dma_start3A_161 : memref<64xf32, #tpu.memory_space<hbm>>) target(%dma_start3A_158 : memref<64xf32, #tpu.memory_space<vmem>>) target_semaphore(%arg10 : memref<!tpu.dma_semaphore, #tpu.memory_space<semaphore_mem>>)
    }
    %scan3A_5 = arith.constant 128 : i32
    %dma_wait3A = arith.constant 0 : i32
    %dma_wait3A_6 = arith.constant 0 : i32
    %dma_wait3A_7 = arith.constant 0 : i32
    %dma_wait3A_8 = tpu.memref_slice %arg6[%dma_wait3A_6, %dma_wait3A_7] : memref<256x128xf32, #tpu.memory_space<vmem>> -> memref<64x128xf32, #tpu.memory_space<vmem>>
    %dma_wait3A_9 = arith.constant 0 : i32
    %dma_wait3A_10 = arith.constant 0 : i32
    %dma_wait3A_11 = tpu.memref_slice %arg4[%dma_wait3A, %dma_wait3A_9, %dma_wait3A_10] : memref<32x256x128xf32, #tpu.memory_space<hbm>> -> memref<1x64x128xf32, #tpu.memory_space<hbm>>
    %dma_wait3A_12 = tpu.memref_squeeze %dma_wait3A_11 : memref<1x64x128xf32, #tpu.memory_space<hbm>> -> memref<64x128xf32, #tpu.memory_space<hbm>>
    %dma_wait3A_13 = arith.constant 0 : i32
    %dma_wait3A_14 = arith.constant 0 : i32
    %dma_wait3A_15 = tpu.memref_slice %arg6[%dma_wait3A_13, %dma_wait3A_14] : memref<256x128xf32, #tpu.memory_space<vmem>> -> memref<64x128xf32, #tpu.memory_space<vmem>>
    %dma_wait3A_16 = arith.constant 0 : i32
    %dma_wait3A_17 = arith.constant 0 : i32
    %dma_wait3A_18 = tpu.memref_slice %arg4[%dma_wait3A, %dma_wait3A_16, %dma_wait3A_17] : memref<32x256x128xf32, #tpu.memory_space<hbm>> -> memref<1x64x128xf32, #tpu.memory_space<hbm>>
    %dma_wait3A_19 = tpu.memref_squeeze %dma_wait3A_18 : memref<1x64x128xf32, #tpu.memory_space<hbm>> -> memref<64x128xf32, #tpu.memory_space<hbm>>
    tpu.wait_dma2 semaphore(%arg7 : memref<!tpu.dma_semaphore, #tpu.memory_space<semaphore_mem>>) src(%dma_wait3A_19 : memref<64x128xf32, #tpu.memory_space<hbm>>) dst(%dma_wait3A_15 : memref<64x128xf32, #tpu.memory_space<vmem>>)
    %dma_wait3A_20 = arith.constant 0 : i32
    %dma_wait3A_21 = arith.constant 64 : i32
    %dma_wait3A_22 = arith.constant 0 : i32
    %dma_wait3A_23 = tpu.memref_slice %arg6[%dma_wait3A_21, %dma_wait3A_22] : memref<256x128xf32, #tpu.memory_space<vmem>> -> memref<64x128xf32, #tpu.memory_space<vmem>>
    %dma_wait3A_24 = arith.constant 0 : i32
    %dma_wait3A_25 = arith.constant 0 : i32
    %dma_wait3A_26 = tpu.memref_slice %arg4[%dma_wait3A_20, %dma_wait3A_24, %dma_wait3A_25] : memref<32x256x128xf32, #tpu.memory_space<hbm>> -> memref<1x64x128xf32, #tpu.memory_space<hbm>>
    %dma_wait3A_27 = tpu.memref_squeeze %dma_wait3A_26 : memref<1x64x128xf32, #tpu.memory_space<hbm>> -> memref<64x128xf32, #tpu.memory_space<hbm>>
    %dma_wait3A_28 = arith.constant 64 : i32
    %dma_wait3A_29 = arith.constant 0 : i32
    %dma_wait3A_30 = tpu.memref_slice %arg6[%dma_wait3A_28, %dma_wait3A_29] : memref<256x128xf32, #tpu.memory_space<vmem>> -> memref<64x128xf32, #tpu.memory_space<vmem>>
    %dma_wait3A_31 = arith.constant 0 : i32
    %dma_wait3A_32 = arith.constant 0 : i32
    %dma_wait3A_33 = tpu.memref_slice %arg4[%dma_wait3A_20, %dma_wait3A_31, %dma_wait3A_32] : memref<32x256x128xf32, #tpu.memory_space<hbm>> -> memref<1x64x128xf32, #tpu.memory_space<hbm>>
    %dma_wait3A_34 = tpu.memref_squeeze %dma_wait3A_33 : memref<1x64x128xf32, #tpu.memory_space<hbm>> -> memref<64x128xf32, #tpu.memory_space<hbm>>
    tpu.wait_dma2 semaphore(%arg8 : memref<!tpu.dma_semaphore, #tpu.memory_space<semaphore_mem>>) src(%dma_wait3A_34 : memref<64x128xf32, #tpu.memory_space<hbm>>) dst(%dma_wait3A_30 : memref<64x128xf32, #tpu.memory_space<vmem>>)
    %dma_wait3A_35 = arith.constant 0 : i32
    %dma_wait3A_36 = arith.constant 128 : i32
    %dma_wait3A_37 = arith.constant 0 : i32
    %dma_wait3A_38 = tpu.memref_slice %arg6[%dma_wait3A_36, %dma_wait3A_37] : memref<256x128xf32, #tpu.memory_space<vmem>> -> memref<64x128xf32, #tpu.memory_space<vmem>>
    %dma_wait3A_39 = arith.constant 0 : i32
    %dma_wait3A_40 = arith.constant 0 : i32
    %dma_wait3A_41 = tpu.memref_slice %arg4[%dma_wait3A_35, %dma_wait3A_39, %dma_wait3A_40] : memref<32x256x128xf32, #tpu.memory_space<hbm>> -> memref<1x64x128xf32, #tpu.memory_space<hbm>>
    %dma_wait3A_42 = tpu.memref_squeeze %dma_wait3A_41 : memref<1x64x128xf32, #tpu.memory_space<hbm>> -> memref<64x128xf32, #tpu.memory_space<hbm>>
    %dma_wait3A_43 = arith.constant 128 : i32
    %dma_wait3A_44 = arith.constant 0 : i32
    %dma_wait3A_45 = tpu.memref_slice %arg6[%dma_wait3A_43, %dma_wait3A_44] : memref<256x128xf32, #tpu.memory_space<vmem>> -> memref<64x128xf32, #tpu.memory_space<vmem>>
    %dma_wait3A_46 = arith.constant 0 : i32
    %dma_wait3A_47 = arith.constant 0 : i32
    %dma_wait3A_48 = tpu.memref_slice %arg4[%dma_wait3A_35, %dma_wait3A_46, %dma_wait3A_47] : memref<32x256x128xf32, #tpu.memory_space<hbm>> -> memref<1x64x128xf32, #tpu.memory_space<hbm>>
    %dma_wait3A_49 = tpu.memref_squeeze %dma_wait3A_48 : memref<1x64x128xf32, #tpu.memory_space<hbm>> -> memref<64x128xf32, #tpu.memory_space<hbm>>
    tpu.wait_dma2 semaphore(%arg9 : memref<!tpu.dma_semaphore, #tpu.memory_space<semaphore_mem>>) src(%dma_wait3A_49 : memref<64x128xf32, #tpu.memory_space<hbm>>) dst(%dma_wait3A_45 : memref<64x128xf32, #tpu.memory_space<vmem>>)
    %dma_wait3A_50 = arith.constant 0 : i32
    %dma_wait3A_51 = arith.constant 192 : i32
    %dma_wait3A_52 = arith.constant 0 : i32
    %dma_wait3A_53 = tpu.memref_slice %arg6[%dma_wait3A_51, %dma_wait3A_52] : memref<256x128xf32, #tpu.memory_space<vmem>> -> memref<64x128xf32, #tpu.memory_space<vmem>>
    %dma_wait3A_54 = arith.constant 0 : i32
    %dma_wait3A_55 = arith.constant 0 : i32
    %dma_wait3A_56 = tpu.memref_slice %arg4[%dma_wait3A_50, %dma_wait3A_54, %dma_wait3A_55] : memref<32x256x128xf32, #tpu.memory_space<hbm>> -> memref<1x64x128xf32, #tpu.memory_space<hbm>>
    %dma_wait3A_57 = tpu.memref_squeeze %dma_wait3A_56 : memref<1x64x128xf32, #tpu.memory_space<hbm>> -> memref<64x128xf32, #tpu.memory_space<hbm>>
    %dma_wait3A_58 = arith.constant 192 : i32
    %dma_wait3A_59 = arith.constant 0 : i32
    %dma_wait3A_60 = tpu.memref_slice %arg6[%dma_wait3A_58, %dma_wait3A_59] : memref<256x128xf32, #tpu.memory_space<vmem>> -> memref<64x128xf32, #tpu.memory_space<vmem>>
    %dma_wait3A_61 = arith.constant 0 : i32
    %dma_wait3A_62 = arith.constant 0 : i32
    %dma_wait3A_63 = tpu.memref_slice %arg4[%dma_wait3A_50, %dma_wait3A_61, %dma_wait3A_62] : memref<32x256x128xf32, #tpu.memory_space<hbm>> -> memref<1x64x128xf32, #tpu.memory_space<hbm>>
    %dma_wait3A_64 = tpu.memref_squeeze %dma_wait3A_63 : memref<1x64x128xf32, #tpu.memory_space<hbm>> -> memref<64x128xf32, #tpu.memory_space<hbm>>
    tpu.wait_dma2 semaphore(%arg10 : memref<!tpu.dma_semaphore, #tpu.memory_space<semaphore_mem>>) src(%dma_wait3A_64 : memref<64x128xf32, #tpu.memory_space<hbm>>) dst(%dma_wait3A_60 : memref<64x128xf32, #tpu.memory_space<vmem>>)
    "tpu.region"() ({
      %run_scoped3A = tpu.sem_alloc : memref<!tpu.dma_semaphore, #tpu.memory_space<semaphore_mem>>
      %dma_start3A = arith.constant 0 : i32
      %dma_start3A_65 = arith.constant 0 : i32
      %dma_start3A_66 = tpu.memref_slice %arg4[%add3A, %dma_start3A, %dma_start3A_65] : memref<32x256x128xf32, #tpu.memory_space<hbm>> -> memref<1x256x128xf32, #tpu.memory_space<hbm>>
      %dma_start3A_67 = tpu.memref_squeeze %dma_start3A_66 : memref<1x256x128xf32, #tpu.memory_space<hbm>> -> memref<256x128xf32, #tpu.memory_space<hbm>>
      %dma_start3A_68 = arith.constant 0 : i32
      %dma_start3A_69 = arith.constant 0 : i32
      %dma_start3A_70 = tpu.memref_slice %arg4[%add3A, %dma_start3A_68, %dma_start3A_69] : memref<32x256x128xf32, #tpu.memory_space<hbm>> -> memref<1x256x128xf32, #tpu.memory_space<hbm>>
      %dma_start3A_71 = tpu.memref_squeeze %dma_start3A_70 : memref<1x256x128xf32, #tpu.memory_space<hbm>> -> memref<256x128xf32, #tpu.memory_space<hbm>>
      tpu.enqueue_dma source(%arg6 : memref<256x128xf32, #tpu.memory_space<vmem>>) target(%dma_start3A_71 : memref<256x128xf32, #tpu.memory_space<hbm>>) target_semaphore(%run_scoped3A : memref<!tpu.dma_semaphore, #tpu.memory_space<semaphore_mem>>)
      %dma_wait3A_72 = arith.constant 0 : i32
      %dma_wait3A_73 = arith.constant 0 : i32
      %dma_wait3A_74 = tpu.memref_slice %arg4[%add3A, %dma_wait3A_72, %dma_wait3A_73] : memref<32x256x128xf32, #tpu.memory_space<hbm>> -> memref<1x256x128xf32, #tpu.memory_space<hbm>>
      %dma_wait3A_75 = tpu.memref_squeeze %dma_wait3A_74 : memref<1x256x128xf32, #tpu.memory_space<hbm>> -> memref<256x128xf32, #tpu.memory_space<hbm>>
      %dma_wait3A_76 = arith.constant 0 : i32
      %dma_wait3A_77 = arith.constant 0 : i32
      %dma_wait3A_78 = tpu.memref_slice %arg4[%add3A, %dma_wait3A_76, %dma_wait3A_77] : memref<32x256x128xf32, #tpu.memory_space<hbm>> -> memref<1x256x128xf32, #tpu.memory_space<hbm>>
      %dma_wait3A_79 = tpu.memref_squeeze %dma_wait3A_78 : memref<1x256x128xf32, #tpu.memory_space<hbm>> -> memref<256x128xf32, #tpu.memory_space<hbm>>
      tpu.wait_dma2 semaphore(%run_scoped3A : memref<!tpu.dma_semaphore, #tpu.memory_space<semaphore_mem>>) src(%arg6 : memref<256x128xf32, #tpu.memory_space<vmem>>) dst(%dma_wait3A_79 : memref<256x128xf32, #tpu.memory_space<hbm>>)
      tpu.yield
    }) : () -> ()
    return
  }
}

</mosaic_0001>

<sc_bundles>
// kernel: kernel.3.cloned.1.call-start
scs
__scs_entry_jumppad:
0x0: {  	(pc) =	sbr.rel $0x88, $3  }
0x1: {  	(tag) =	ssettag $0x0;
	lr =	simm.s32 $0x1  }
0x2: {  	[smem:$0x3F9F] =	sst lr;
	_ =	strace $0xD0000000  }
0x3: {  	_ = 	snop  }
0x4: {  	_ = 	snop  }
0x5: {  	_ = 	snop  }
0x6: {  	_ = 	snop  }
0x7: {  	_ = 	snop  }
__scs_overlays_trampoline_lowered:
0x8: {  	[smem:$0x3FAE] =	sst s0  }
0x9: {  	[smem:$0x3FAF] =	sst s1  }
0xa: {  	[smem:$0x3FB0] =	sst s2  }
0xb: {  	[smem:$0x3FB1] =	sst s3  }
0xc: {  	[smem:$0x3FB2] =	sst s4  }
0xd: {  	[smem:$0x3FB3] =	sst s5  }
0xe: {  	[smem:$0x3FB4] =	sst s6  }
0xf: {  	[smem:$0x3FB5] =	sst s7  }
0x10: {  	[smem:$0x3FB6] =	sst s8  }
0x11: {  	[smem:$0x3FB7] =	sst s9;
	s0 =	simm.s32 @!p0 $0x0  }
0x12: {  	s1 =	sld [smem:$0x3F9D];
	s0 =	simm.s32 @p0 $0x1  }
0x13: {  	[smem:$0x3FB8] =	sst s0;
	s0 =	simm.s32 @!p1 $0x0  }
0x14: {  	s2 =	sld [smem:$0x3F9C];
	s0 =	simm.s32 @p1 $0x1  }
0x15: {  	[smem:$0x3FB9] =	sst s0;
	s0 =	simm.s32 @!p2 $0x0  }
0x16: {  	s3 =	sld [smem:$0x3FDB];
	s0 =	simm.s32 @p2 $0x1  }
0x17: {  	s4 =	simm.s32 $0x1BF5;
	[smem:$0x3FBB] =	sst s0  }
0x18: {  	s0 =	sld [smem:$0x3F9E];
	_ =	swait.ge [sflag:s4], $0x0  }
0x19: {  	s7 =	sld [smem:$0x3F9F]  }
0x1a: {  	s8 =	sadd.s32 $0xFFFFE003, lr  }
0x1b: {  	s9 =	sadd.s32 $0xFFFFFEF7, lr;
	s5 =	simm.s32 $0xFFFFFFFF;
	p2 =	slt.u32 s8, $0xFFFFF086  }
0x1c: {  	p1 =	slt.u32 s9, $0xF7A;
	s5 =	simm.s32 @!p2 $0x0  }
0x1d: {  	s5 =	simm.s32 @p1 $0x1;
	p0 =	seq.s32 s7, s2  }
0x1e: {  	s7 =	smul.u32 @!p0 $0xF7A, s2;
	p2 =	seq.s32 @!p0 s5, $0x0  }
0x1f: {  	s9 =	smul.u32 $0xF7A, s1;
	s8 =	simm.s32 @!p0 $0x1BF5;
	p2 =	por !p2, p0  }
0x20: {  	[sflag:s8] =	ssyncset.s32 @!p0 $0xFFFFF086;
	s6 =	sadd.s32 @!p0 s3, s7;
	s7 =	simm.s32 @!p0 $0x108  }
0x21: {  	s3 =	sadd.s32 s3, s9;
	s6 =	sadd.s32 @!p0 $0x88, s6;
	s7 =	simm.s32 @p2 $0x1082  }
0x22: {  	[simem:s7], [sflag:s8] =	dma.local @!p0 [hbm:s6], $0xF7A  }
0x23: {  	s9 =	sor.u32 $0xD0000000, s2;
	s6 =	simm.s32 $0x108;
	_ =	swait.ge @!p0 [sflag:s8], $0x0  }
0x24: {  	s3 =	sadd.s32 $0x88, s3;
	s6 =	simm.s32 @!p1 $0x1082;
	[sflag:s4] =	ssyncset.s32 $0xFFFFF086  }
0x25: {  	[simem:s6], [sflag:s4] =	dma.local [hbm:s3], $0xF7A  }
0x26: {  	[smem:$0x3F9F] =	sst s1;
	(tag) =	ssettag s2;
	_ =	strace s9  }
0x27: {  	s1 =	sld [smem:$0x3FAF]  }
0x28: {  	s2 =	sld [smem:$0x3FB0]  }
0x29: {  	s4 =	sld [smem:$0x3FB2]  }
0x2a: {  	p0 =	seq.s32 s5, $0x0;
	s5 =	sld [smem:$0x3FB3]  }
0x2b: {  	s6 =	sld [smem:$0x3FB4]  }
0x2c: {  	s7 =	sld [smem:$0x3FB5]  }
0x2d: {  	s3 =	simm.s32 $0x108;
	s8 =	sld [smem:$0x3FB6]  }
0x2e: {  	s3 =	simm.s32 @!p0 $0x1082;
	s9 =	sld [smem:$0x3FB7]  }
0x2f: {  	lr =	sadd.s32 s0, s3;
	s0 =	sld [smem:$0x3FAE]  }
0x30: {  	s3 =	sld [smem:$0x3FB1]  }
0x31: {  	[smem:$0x3FBA] =	sst s10  }
0x32: {  	s10 =	sld [smem:$0x3FB8];
	_ =	sdelay $0x3  }
0x33: {  	p0 =	seq.s32 s10, $0x1;
	s10 =	sld [smem:$0x3FBA];
	_ =	sdelay $0x3  }
0x34: {  	[smem:$0x3FBA] =	sst s10  }
0x35: {  	s10 =	sld [smem:$0x3FB9];
	_ =	sdelay $0x3  }
0x36: {  	p1 =	seq.s32 s10, $0x1;
	s10 =	sld [smem:$0x3FBA];
	_ =	sdelay $0x3  }
0x37: {  	[smem:$0x3FBA] =	sst s10  }
0x38: {  	s10 =	sld [smem:$0x3FBB]  }
0x39: {  	_ = 	snop;
	(pc) =	sbr.ind lr, $3  }
0x3a: {  	_ = 	snop  }
0x3b: {  	_ = 	snop  }
0x3c: {  	p2 =	seq.s32 s10, $0x1;
	s10 =	sld [smem:$0x3FBA]  }
0x3d: {  	_ =	shalt  }
0x3e: {  	_ =	shalt  }
0x3f: {  	_ =	shalt  }
0x40: {  	_ =	shalt  }
0x41: {  	_ =	shalt  }
0x42: {  	_ =	shalt  }
0x43: {  	_ =	shalt  }
0x44: {  	_ =	shalt  }
0x45: {  	_ =	shalt  }
0x46: {  	_ =	shalt  }
0x47: {  	_ =	shalt  }
0x48: {  	_ =	shalt  }
0x49: {  	_ =	shalt  }
0x4a: {  	_ =	shalt  }
0x4b: {  	_ =	shalt  }
0x4c: {  	_ =	shalt  }
0x4d: {  	_ =	shalt  }
0x4e: {  	_ =	shalt  }
0x4f: {  	_ =	shalt  }
0x50: {  	_ =	shalt  }
0x51: {  	_ =	shalt  }
0x52: {  	_ =	shalt  }
0x53: {  	_ =	shalt  }
0x54: {  	_ =	shalt  }
0x55: {  	_ =	shalt  }
0x56: {  	_ =	shalt  }
0x57: {  	_ =	shalt  }
0x58: {  	_ =	shalt  }
0x59: {  	_ =	shalt  }
0x5a: {  	_ =	shalt  }
0x5b: {  	_ =	shalt  }
0x5c: {  	_ =	shalt  }
0x5d: {  	_ =	shalt  }
0x5e: {  	_ =	shalt  }
0x5f: {  	_ =	shalt  }
0x60: {  	_ =	shalt  }
0x61: {  	_ =	shalt  }
0x62: {  	_ =	shalt  }
0x63: {  	_ =	shalt  }
0x64: {  	_ =	shalt  }
0x65: {  	_ =	shalt  }
0x66: {  	_ =	shalt  }
0x67: {  	_ =	shalt  }
0x68: {  	_ =	shalt  }
0x69: {  	_ =	shalt  }
0x6a: {  	_ =	shalt  }
0x6b: {  	_ =	shalt  }
0x6c: {  	_ =	shalt  }
0x6d: {  	_ =	shalt  }
0x6e: {  	_ =	shalt  }
0x6f: {  	_ =	shalt  }
0x70: {  	_ =	shalt  }
0x71: {  	_ =	shalt  }
0x72: {  	_ =	shalt  }
0x73: {  	_ =	shalt  }
0x74: {  	_ =	shalt  }
0x75: {  	_ =	shalt  }
0x76: {  	_ =	shalt  }
0x77: {  	_ =	shalt  }
0x78: {  	_ =	shalt  }
0x79: {  	_ =	shalt  }
0x7a: {  	_ =	shalt  }
0x7b: {  	_ =	shalt  }
0x7c: {  	_ =	shalt  }
0x7d: {  	_ =	shalt  }
0x7e: {  	_ =	shalt  }
0x7f: {  	_ =	shalt  }
0x80: {  	_ =	shalt  }
0x81: {  	_ =	shalt  }
0x82: {  	_ =	shalt  }
0x83: {  	_ =	shalt  }
0x84: {  	_ =	shalt  }
0x85: {  	_ =	shalt  }
0x86: {  	_ =	shalt  }
0x87: {  	_ =	shalt  }
.Lfunc_end0:
.L_simem_size_0:
called_computation_lowered:
.L_overlay_start_0:
0x88: {  	s2 =	sld [smem:$0x3FD9]  }
0x89: {  	s3 =	sld [smem:$0x3FFE];
	_ =	sdelay $0x1  }
0x8a: {  	s1 =	srdreg.scid  }
0x8b: {  	s0 =	sand.u32 $0x1, s1  }
0x8c: {  	s17 =	sshll.u32 s0, $0xA;
	s2 =	sadd.s32 s3, s2  }
0x8d: {  	s2 =	sadd.s32 s2, s17  }
0x8e: {  	[smem:$0x3FC6] =	sst s2  }
0x8f: {  	_ = 	snop  }
0x90: {  	s2 =	sld [smem:$0x3FD0];
	(tm) =	ssettm $0x1  }
0x91: {  	s18 =	sld [smem:$0x3FFB];
	_ =	sdelay $0x3  }
0x92: {  	_ =	strace s18  }
0x93: {  	s3 =	sld [smem:$0x3FFC];
	_ =	sdelay $0x3  }
0x94: {  	_ =	strace s3  }
0x95: {  	s3 =	sld [smem:$0x3FFD];
	_ =	sdelay $0x3  }
0x96: {  	_ =	strace s3  }
0x97: {  	_ =	strace $0x8FFFFFFF  }
0x98: {  	s19 =	sld [smem:$0x3FDB];
	_ =	sdelay $0x1  }
0x99: {  	s4 =	simm.s32 $_scs_section_size  }
0x9a: {  	s5 =	simm.s32 $_size__tile_overlayer_lowered;
	s6 =	simm.s32 $_tile_overlayer_lowered  }
0x9b: {  	s22 =	simm.s32 $0x1BFF;
	s21 =	sshll.u32 s6, $0x1;
	s3 =	sadd.s32 s4, s19  }
0x9c: {  	s7 =	simm.s32 $0x0;
	s20 =	sshll.u32 s5, $0x1;
	s5 =	sadd.s32 s21, s3  }
0x9d: {  	[timem:s7], [sflag:s22] =	dma.local [hbm:s5], s20  }
0x9e: {  	_ =	swait.ge [sflag:s22], s20  }
0x9f: {  	s4 =	ssub.s32 $0x0, s20;
	[sflag:s22] =	ssyncset.done $0x0  }
0xa0: {  	[sflag:s22] =	ssyncadd.s32 s4;
	_ =	sdelay $0x1  }
0xa1: {  	s23 =	simm.s32 $0x1B8B  }
0xa2: {  	_ =	swait.ge [sflag:s23], $0x1  }
0xa3: {  	[sflag:s23] =	ssyncset.done $0x0  }
0xa4: {  	s25 =	simm.s32 $0x1B8E;
	s24 =	sld [smem:$0x3FFE];
	[sflag:s23] =	ssyncadd.s32 $0xFFFFFFFF  }
0xa5: {  	s26 =	simm.s32 $execute0_lowered;
	[smem:$0x3FD2] =	sst s25  }
0xa6: {  	s5 =	sshll.u32 s26, $0x1;
	_ =	strace $0x80000046;
	[dreg:$0x1] =	wrdreg $0xFFFFFFFF  }
0xa7: {  	s28 =	simm.s32 $_size_execute0_lowered;
	s3 =	sadd.s32 s3, s5;
	[dreg:$0x0] =	wrdreg $0x0  }
0xa8: {  	s5 =	sshll.u32 s28, $0x1;
	[dreg:$0x2] =	wrdreg s3  }
0xa9: {  	[dreg:$0x3] =	wrdreg s5  }
0xaa: {  	[dreg:$0x4] =	wrdreg $0xC0  }
0xab: {  	_ =	task [dreg:s7], $0x5FFFF  }
0xac: {  	[dreg:$0x1] =	wrdreg $0xFFFFFFFF  }
0xad: {  	[dreg:$0x0] =	wrdreg $0x60  }
0xae: {  	[dreg:$0x2] =	wrdreg s24  }
0xaf: {  	[dreg:$0x3] =	wrdreg s2  }
0xb0: {  	[dreg:$0x4] =	wrdreg $0x9  }
0xb1: {  	_ =	task.clear_ibuf [dreg:s7], $0x5FFFF;
	_ =	strace $0x90000046  }
0xb2: {  	s29 =	simm.s32 $0x9;
	_ =	strace $0x80000048  }
0xb3: {  	_ =	swait.ge [sflag:s29], $0x1  }
0xb4: {  	[sflag:s29] =	ssyncadd.s32 $0xFFFFFFFF  }
0xb5: {  	_ =	strace $0x90000048  }
0xb6: {  	_ =	sfence  }
0xb7: {  	s30 =	sld [smem:$0x0];
	_ =	sdelay $0x2  }
0xb8: {  	s31 =	sshll.u32 s1, $0xD;
	s1 =	sshrl.u32 s1, $0x2  }
0xb9: {  	s3 =	sand.u32 $0x4000, s31;
	s1 =	sadd.s32 s1, s30  }
0xba: {  	s0 =	sor.u32 s3, s0;
	s1 =	sshll.u32 s1, $0x11  }
0xbb: {  	s0 =	sor.u32 s1, s0  }
0xbc: {  	s0 =	sadd.s32 $0x8F2B, s0  }
0xbd: {  	[sflag:s0] =	ssyncadd.remote.s32 $0x1  }
0xbe: {  	_ =	sfence.sel $0xFFFF  }
0xbf: {  	[dreg:$0x0] =	wrdreg $0xFFFFFFFF;
	(pc) =	sbr.abs _section_cstart, $3  }
0xc0: {  	[dreg:$0x1] =	wrdreg $0xFFFFFFFF  }
0xc1: {  	_ =	task.clear_ibuf [dreg:s7], $0x2FFFF;
	_ =	strace $0x9FFFFFFF  }
0xc2: {  	(tm) =	ssettm $0x7FFFFFFF  }
0xc3: {  	_ =	shalt  }
tec
execute0_lowered:
.L_overlay_start_1:
0x0: {  	(tag) =	ssettag $0x1  }
0x1: {  	s3 =	rddreg [dreg:$0x0]  }
0x2: {  	s5 =	rddreg [dreg:$0x1]  }
0x3: {  	s0 =	rddreg [dreg:$0x2];
	s2 =	simm.s32 $0x0  }
0x4: {  	s1 =	stileid.u32;
	s4 =	srdreg.scid;
	s10 =	simm.s32 $0x1  }
0x5: {  	s11 =	simm.s32 $0x2;
	s12 =	simm.s32 $0x3;
	s13 =	simm.s32 $0x4  }
0x6: {  	s14 =	simm.s32 $0x280;
	s15 =	simm.s32 $0x0;
	[smem:$0x7FF] =	sst s2  }
0x7: {  	s6 =	sshll.u32 s1, $0x7;
	s4 =	sand.u32 $0x1, s4;
	s7 =	sshll.u32 s1, $0x1  }
0x8: {  	_ =	strace $0x80000047;
	s6 =	sand.u32 $0x600, s6;
	s7 =	sor.u32 s4, s7  }
0x9: {  	s4 =	ssub.s32 $0x2, s4;
	s6 =	sadd.s32 s6, s3;
	s8 =	sshll.u32 s7, $0x4  }
0xa: {  	s3 =	sadd.s32 $0xC00, s3;
	s9 =	sshrl.u32 s4, $0x1;
	s31 =	sshll.u32 s7, $0xC  }
0xb: {  	s7 =	simm.s32 $0x80;
	s8 =	sand.u32 $0x70, s8;
	s9 =	ssub.s32 s4, s9  }
0xc: {  	s5 =	sadd.s32 s5, s31;
	s30 =	sadd.s32 s8, s6;
	s6 =	smax.u32 s9, $0x1  }
0xd: {  	s8 =	simm.s32 $0x400;
	s9 =	simm.s32 $0x5;
	s4 =	sadd.s32 $0x400, s30  }
.LBB2_1:
0xe: {  	[tilespmem:s2], [sflag:$0x5] =	stream.strided.gather [hbm4b:s4+s7], $0x200, s8, s7, $0x38;
	[tilespmem:$0x8280] =	vst v63  }
0xf: {  	_ =	swait.ge [sflag:s9], $0x200  }
0x10: {  	[sflag:s9] =	ssyncset.done $0x0  }
0x11: {  	s16 =	simm.s32 $0x0;
	[sflag:s9] =	ssyncadd.s32 $0xFFFFFE00  }
0x12: {  	v0 =	vld [tilespmem:s16+$0x0];
	_ =	sdelay $0x4  }
0x13: {  	(v2sf) =	vpush v0, $0x0;
	_ =	sdelay $0xe  }
0x14: {  	s17 =	spop (v2sf)  }
0x15: {  	s17 =	sshll.u32 s17, $0x4  }
0x16: {  	s17 =	sand.u32 $0x1FFFFFF0, s17  }
0x17: {  	s18 =	simm.s32 $0x280;
	s17 =	sadd.s32 s3, s17  }
0x18: {  	[tilespmem:s18], [sflag:$0x1] =	stream.strided.gather [hbm4b:s17+s7], $0x0, s8, s7, $0x38;
	[tilespmem:$0x8280] =	vst v63  }
0x19: {  	_ = 	snop  }
0x1a: {  	[tilespmem:s18], [sflag:$0x1] =	stream.linear.gather [hbm4b:s17+s2], $0x40, $0x38;
	[tilespmem:$0x8280] =	vst v63  }
0x1b: {  	v61 =	vld [tilespmem:s16+$0x1];
	_ =	sdelay $0x4  }
0x1c: {  	(v2sf) =	vpush v61, $0x0;
	_ =	sdelay $0xe  }
0x1d: {  	s26 =	spop (v2sf)  }
0x1e: {  	s17 =	sshll.u32 s26, $0x4  }
0x1f: {  	s17 =	sand.u32 $0x1FFFFFF0, s17  }
0x20: {  	s28 =	simm.s32 $0x2C0;
	s17 =	sadd.s32 s3, s17  }
0x21: {  	[tilespmem:s28], [sflag:$0x2] =	stream.strided.gather [hbm4b:s17+s7], $0x0, s8, s7, $0x38;
	[tilespmem:$0x8280] =	vst v63  }
0x22: {  	_ = 	snop  }
0x23: {  	[tilespmem:s28], [sflag:$0x2] =	stream.linear.gather [hbm4b:s17+s2], $0x40, $0x38;
	[tilespmem:$0x8280] =	vst v63  }
0x24: {  	v62 =	vld [tilespmem:s16+$0x2];
	_ =	sdelay $0x4  }
0x25: {  	(v2sf) =	vpush v62, $0x0;
	_ =	sdelay $0xe  }
0x26: {  	s29 =	spop (v2sf)  }
0x27: {  	s17 =	sshll.u32 s29, $0x4  }
0x28: {  	s17 =	sand.u32 $0x1FFFFFF0, s17  }
0x29: {  	s30 =	simm.s32 $0x300;
	s17 =	sadd.s32 s3, s17  }
0x2a: {  	[tilespmem:s30], [sflag:$0x3] =	stream.strided.gather [hbm4b:s17+s7], $0x0, s8, s7, $0x38;
	[tilespmem:$0x8280] =	vst v63  }
0x2b: {  	_ = 	snop  }
0x2c: {  	[tilespmem:s30], [sflag:$0x3] =	stream.linear.gather [hbm4b:s17+s2], $0x40, $0x38;
	[tilespmem:$0x8280] =	vst v63  }
0x2d: {  	v63 =	vld [tilespmem:s16+$0x3];
	_ =	sdelay $0x4  }
0x2e: {  	(v2sf) =	vpush v63, $0x0;
	_ =	sdelay $0xe  }
0x2f: {  	s31 =	spop (v2sf)  }
0x30: {  	s16 =	sshll.u32 s31, $0x4  }
0x31: {  	s19 =	simm.s32 $0x340;
	s18 =	simm.s32 $0x20;
	s16 =	sand.u32 $0x1FFFFFF0, s16  }
0x32: {  	s17 =	simm.s32 $0x4;
	s20 =	sadd.s32 s3, s16;
	s16 =	simm.s32 $0x440  }
0x33: {  	[tilespmem:s19], [sflag:$0x4] =	stream.strided.gather [hbm4b:s20+s7], $0x0, s8, s7, $0x38;
	[tilespmem:$0x8280] =	vst v63  }
.LBB2_2:
0x34: {  	[tilespmem:s19], [sflag:$0x4] =	stream.linear.gather [hbm4b:s20+s2], $0x40, $0x38;
	[tilespmem:$0x8280] =	vst v63  }
0x35: {  	s20 =	sshra.s32 s18, $0x2;
	p0 =	sne.s32 s18, $0x7F0;
	s18 =	sadd.s32 $0x10, s18;
	v0 =	vld [tilespmem:s17+$0x0]  }
0x36: {  	s19 =	smov.u32 s16;
	_ =	sdelay $0x3  }
0x37: {  	(v2sf) =	vpush v0, $0x0;
	_ =	sdelay $0xe  }
0x38: {  	s21 =	spop (v2sf)  }
0x39: {  	s21 =	sshll.u32 s21, $0x4  }
0x3a: {  	s21 =	sand.u32 $0x1FFFFFF0, s21  }
0x3b: {  	s22 =	sadd.s32 $0xFFFFFF40, s16;
	s21 =	sadd.s32 s3, s21  }
0x3c: {  	[tilespmem:s22], [sflag:$0x1] =	stream.strided.gather [hbm4b:s21+s7], $0x0, s8, s7, $0x38;
	[tilespmem:$0x8280] =	vst v63  }
0x3d: {  	_ = 	snop  }
0x3e: {  	[tilespmem:s22], [sflag:$0x1] =	stream.linear.gather [hbm4b:s21+s2], $0x40, $0x38;
	[tilespmem:$0x8280] =	vst v63  }
0x3f: {  	v0 =	vld [tilespmem:s17+$0x1];
	_ =	sdelay $0x4  }
0x40: {  	(v2sf) =	vpush v0, $0x0;
	_ =	sdelay $0xe  }
0x41: {  	s21 =	spop (v2sf)  }
0x42: {  	s21 =	sshll.u32 s21, $0x4  }
0x43: {  	s21 =	sand.u32 $0x1FFFFFF0, s21  }
0x44: {  	s22 =	sadd.s32 $0xFFFFFF80, s16;
	s21 =	sadd.s32 s3, s21  }
0x45: {  	[tilespmem:s22], [sflag:$0x2] =	stream.strided.gather [hbm4b:s21+s7], $0x0, s8, s7, $0x38;
	[tilespmem:$0x8280] =	vst v63  }
0x46: {  	_ = 	snop  }
0x47: {  	[tilespmem:s22], [sflag:$0x2] =	stream.linear.gather [hbm4b:s21+s2], $0x40, $0x38;
	[tilespmem:$0x8280] =	vst v63  }
0x48: {  	v0 =	vld [tilespmem:s17+$0x2];
	_ =	sdelay $0x4  }
0x49: {  	(v2sf) =	vpush v0, $0x0;
	_ =	sdelay $0xe  }
0x4a: {  	s21 =	spop (v2sf)  }
0x4b: {  	s21 =	sshll.u32 s21, $0x4  }
0x4c: {  	s21 =	sand.u32 $0x1FFFFFF0, s21  }
0x4d: {  	s22 =	sadd.s32 $0xFFFFFFC0, s16;
	s21 =	sadd.s32 s3, s21  }
0x4e: {  	[tilespmem:s22], [sflag:$0x3] =	stream.strided.gather [hbm4b:s21+s7], $0x0, s8, s7, $0x38;
	[tilespmem:$0x8280] =	vst v63  }
0x4f: {  	_ = 	snop  }
0x50: {  	[tilespmem:s22], [sflag:$0x3] =	stream.linear.gather [hbm4b:s21+s2], $0x40, $0x38;
	[tilespmem:$0x8280] =	vst v63  }
0x51: {  	v0 =	vld [tilespmem:s17+$0x3];
	s17 =	smov.u32 s20;
	_ =	sdelay $0x4  }
0x52: {  	(v2sf) =	vpush v0, $0x0;
	_ =	sdelay $0xe  }
0x53: {  	s20 =	spop (v2sf)  }
.Ltmp0:
0x54: {  	s20 =	sshll.u32 s20, $0x4;
	(pc) =	sbr.rel @p0 .LBB2_2-.Ltmp0, $4  }
0x55: {  	s20 =	sand.u32 $0x1FFFFFF0, s20  }
0x56: {  	s20 =	sadd.s32 s3, s20  }
0x57: {  	[tilespmem:s16], [sflag:$0x4] =	stream.strided.gather [hbm4b:s20+s7], $0x0, s8, s7, $0x38;
	[tilespmem:$0x8280] =	vst v63  }
0x58: {  	s16 =	sadd.s32 $0x100, s16  }
0x59: {  	[tilespmem:s19], [sflag:$0x4] =	stream.linear.gather [hbm4b:s20+s2], $0x40, $0x38;
	[tilespmem:$0x8280] =	vst v63  }
0x5a: {  	v0 =	vld [tilespmem:s17+$0x0];
	_ =	sdelay $0x4  }
0x5b: {  	(v2sf) =	vpush v0, $0x0;
	_ =	sdelay $0xe  }
0x5c: {  	s18 =	spop (v2sf)  }
0x5d: {  	s18 =	sshll.u32 s18, $0x4  }
0x5e: {  	s18 =	sand.u32 $0x1FFFFFF0, s18  }
0x5f: {  	s25 =	sadd.s32 $0xFFFFFF40, s16;
	s18 =	sadd.s32 s3, s18  }
0x60: {  	[tilespmem:s25], [sflag:$0x1] =	stream.strided.gather [hbm4b:s18+s7], $0x0, s8, s7, $0x38;
	[tilespmem:$0x8280] =	vst v63  }
0x61: {  	_ = 	snop  }
0x62: {  	[tilespmem:s25], [sflag:$0x1] =	stream.linear.gather [hbm4b:s18+s2], $0x40, $0x38;
	[tilespmem:$0x8280] =	vst v63  }
0x63: {  	v61 =	vld [tilespmem:s17+$0x1];
	_ =	sdelay $0x4  }
0x64: {  	(v2sf) =	vpush v61, $0x0;
	_ =	sdelay $0xe  }
0x65: {  	s26 =	spop (v2sf)  }
0x66: {  	s18 =	sshll.u32 s26, $0x4  }
0x67: {  	s18 =	sand.u32 $0x1FFFFFF0, s18  }
0x68: {  	s28 =	sadd.s32 $0xFFFFFF80, s16;
	s18 =	sadd.s32 s3, s18  }
0x69: {  	[tilespmem:s28], [sflag:$0x2] =	stream.strided.gather [hbm4b:s18+s7], $0x0, s8, s7, $0x38;
	[tilespmem:$0x8280] =	vst v63  }
0x6a: {  	_ = 	snop  }
0x6b: {  	[tilespmem:s28], [sflag:$0x2] =	stream.linear.gather [hbm4b:s18+s2], $0x40, $0x38;
	[tilespmem:$0x8280] =	vst v63  }
0x6c: {  	v62 =	vld [tilespmem:s17+$0x2];
	_ =	sdelay $0x4  }
0x6d: {  	(v2sf) =	vpush v62, $0x0;
	_ =	sdelay $0xe  }
0x6e: {  	s29 =	spop (v2sf)  }
0x6f: {  	s18 =	sshll.u32 s29, $0x4  }
0x70: {  	s18 =	sand.u32 $0x1FFFFFF0, s18  }
0x71: {  	s30 =	sadd.s32 $0xFFFFFFC0, s16;
	s18 =	sadd.s32 s3, s18  }
0x72: {  	[tilespmem:s30], [sflag:$0x3] =	stream.strided.gather [hbm4b:s18+s7], $0x0, s8, s7, $0x38;
	[tilespmem:$0x8280] =	vst v63  }
0x73: {  	_ = 	snop  }
0x74: {  	[tilespmem:s30], [sflag:$0x3] =	stream.linear.gather [hbm4b:s18+s2], $0x40, $0x38;
	[tilespmem:$0x8280] =	vst v63  }
0x75: {  	v63 =	vld [tilespmem:s17+$0x3];
	_ =	sdelay $0x4  }
0x76: {  	(v2sf) =	vpush v63, $0x0;
	_ =	sdelay $0xe  }
0x77: {  	s31 =	spop (v2sf)  }
0x78: {  	s17 =	sshll.u32 s31, $0x4  }
0x79: {  	s17 =	sand.u32 $0x1FFFFFF0, s17  }
0x7a: {  	s17 =	sadd.s32 s3, s17  }
0x7b: {  	[tilespmem:s16], [sflag:$0x4] =	stream.strided.gather [hbm4b:s17+s7], $0x0, s8, s7, $0x38;
	[tilespmem:$0x8280] =	vst v63  }
0x7c: {  	_ = 	snop  }
0x7d: {  	[tilespmem:s16], [sflag:$0x4] =	stream.linear.gather [hbm4b:s17+s2], $0x40, $0x38;
	[tilespmem:$0x8280] =	vst v63  }
0x7e: {  	_ =	swait.ge [sflag:s10], $0x2000  }
0x7f: {  	[sflag:s10] =	ssyncset.done $0x0  }
0x80: {  	[sflag:s10] =	ssyncadd.s32 $0xFFFFE000  }
0x81: {  	_ =	swait.ge [sflag:s11], $0x2000  }
0x82: {  	[sflag:s11] =	ssyncset.done $0x0  }
0x83: {  	[sflag:s11] =	ssyncadd.s32 $0xFFFFE000  }
0x84: {  	_ =	swait.ge [sflag:s12], $0x2000  }
0x85: {  	[sflag:s12] =	ssyncset.done $0x0  }
0x86: {  	[sflag:s12] =	ssyncadd.s32 $0xFFFFE000  }
0x87: {  	s15 =	sadd.s32 $0x1, s15;
	_ =	swait.ge [sflag:s13], $0x2000  }
0x88: {  	p0 =	sne.s32 s15, s6;
	[sflag:s13] =	ssyncset.done $0x0  }
.Ltmp1:
0x89: {  	[sflag:s13] =	ssyncadd.s32 $0xFFFFE000;
	(pc) =	sbr.rel @p0 .LBB2_1-.Ltmp1, $4  }
0x8a: {  	[hbm4b:s5+s2] =	stream.linear.scatter [tilespmem:s14], [sflag:$0x5], $0x8000, $0x38;
	[tilespmem:$0x8280] =	vst v63  }
0x8b: {  	_ =	swait.ge [sflag:s9], $0x8000  }
0x8c: {  	[sflag:s9] =	ssyncset.done $0x0  }
0x8d: {  	[sflag:s9] =	ssyncadd.s32 $0xFFFF8000  }
0x8e: {  	_ =	sfence.sel $0x180000  }
0x8f: {  	[bflag:$0x0] =	sbarrier.arrive $0xFFFF  }
0x90: {  	p0 =	sne.s32 s1, $0x0;
	_ =	strace $0x90000047  }
0x91: {  	s0 =	sadd.s32 @!p0 $0x100000, s0;
	[bflag:$0x2] =	sbarrier.arrive $0xFFFF  }
0x92: {  	[sflag:s0] =	ssyncadd.tile.s32 @!p0 $0x1;
	_ =	shalt  }
.Lfunc_end2:
_tile_overlayer_lowered:
.L_overlay_start_2:
0x93: {  	(tag) =	ssettag $0x2  }
0x94: {  	s0 =	rddreg [dreg:$0x0];
	s2 =	stileid.u32  }
0x95: {  	s1 =	rddreg [dreg:$0x1];
	p0 =	sne.s32 s2, $0x0  }
0x96: {  	s3 =	rddreg [dreg:$0x2];
	[bflag:$0x3] =	sbarrier.arrive $0xFFFF;
	s2 =	simm.s32 @!p0 $0x1C05  }
0x97: {  	[timem:s3], [sflag:s2] =	dma.local @!p0 [hbm:s0], s1  }
0x98: {  	s0 =	simm.s32 @!p0 $0x5  }
0x99: {  	_ =	swait.ge @!p0 [sflag:s0], s1  }
0x9a: {  	s1 =	ssub.s32 @!p0 $0x0, s1;
	[sflag:s0] =	ssyncset.done @!p0 $0x0  }
0x9b: {  	[sflag:s0] =	ssyncadd.s32 @!p0 s1  }
0x9c: {  	[bflag:$0x3] =	sbarrier.arrive $0xFFFF  }
0x9d: {  	_ =	shalt  }

</sc_bundles>
